<compile_context>
chip_gen: v7x
topology: tpu7x:2x2x1
jax: 0.10.2.dev20260603
libtpu: 0.0.44.dev20260713+nightly
codegen_flags: <defaults>
</compile_context>

<pallas_src>
import functools

import numpy as np
import jax
import jax.numpy as jnp
from jax import lax
from jax.experimental import pallas as pl
from jax.experimental.pallas import tpu as pltpu
from jax.experimental.pallas import tpu_sc as plsc

_LANES = 16
_NC = 2
_NS = 16
_NW = _NC * _NS
_SPLITS = ((0, 128), (128, 72))


def _pos_encoding(dim, length):
    i = np.arange(0, dim, 2).astype(np.float32) / dim
    pos = np.arange(0, length).astype(np.float32)[:, None]
    freq = np.exp(i * -np.log(np.float32(10000.0)))
    out = np.zeros((length, dim), np.float32)
    out[:, 0::2] = np.sin(pos * freq)
    out[:, 1::2] = np.cos(pos * freq)
    return jnp.asarray(out)


@jax.jit
def _embed(idx, table, pe):
    B, S = idx.shape
    V, D = table.shape
    scale = jnp.float32(D / 2.0)

    seq_w = B // _NW
    CH = S
    n_ch = seq_w
    n_super = n_ch // 2
    NQ = D // _LANES

    mesh = plsc.VectorSubcoreMesh(core_axis_name="c", subcore_axis_name="s")

    @functools.partial(
        pl.kernel,
        mesh=mesh,
        out_type=jax.ShapeDtypeStruct((B, S, D), jnp.float32),
        compiler_params=pltpu.CompilerParams(use_tc_tiling_on_sc=False),
        scratch_types=[
            pltpu.VMEM((seq_w, S), jnp.int32),
            pltpu.VMEM((CH, D), jnp.float32),
            pltpu.VMEM((CH, D), jnp.float32),
            pltpu.VMEM((CH, D), jnp.float32),
            pltpu.VMEM((CH, D), jnp.float32),
            pltpu.VMEM((S, D), jnp.float32),
            pltpu.SemaphoreType.DMA,
            pltpu.SemaphoreType.DMA,
            pltpu.SemaphoreType.DMA,
            pltpu.SemaphoreType.DMA,
        ],
    )
    def sc_embed(idx_hbm, table_hbm, pe_hbm, out_hbm,
                 idx_all, rows0, rows1, ob0, ob1, pe_v,
                 sg0, sg1, sw0, sw1):
        wid = lax.axis_index("s") * _NC + lax.axis_index("c")
        base = wid * seq_w
        pltpu.sync_copy(pe_hbm, pe_v)
        pltpu.sync_copy(idx_hbm.at[pl.ds(base, seq_w), :], idx_all)

        rows = (rows0, rows1)
        obs = (ob0, ob1)
        sgs = (sg0, sg1)
        sws = (sw0, sw1)

        def gather_start(ci, b):
            del ci, b

        def gather_wait(ci, b):
            del ci, b

        def wb_start(ci, b):
            pltpu.make_async_copy(
                obs[b], out_hbm.at[base + ci], sws[b]
            ).start()

        def wb_wait(b):
            pltpu.make_async_copy(
                obs[b], out_hbm.at[base], sws[b]
            ).wait()

        def compute(b):
            rv, ov = rows[b], obs[b]

            ov[0, pl.ds(0, _LANES)] = rv[0, pl.ds(0, _LANES)] * scale

        gather_start(jnp.int32(0), 0)
        gather_start(jnp.int32(1), 1)
        for b in range(2):
            gather_wait(jnp.int32(b), b)
            compute(b)
            gather_start(jnp.int32(2 + b), b)
            wb_start(jnp.int32(b), b)

        def super_body(si, carry):
            for b in range(2):
                ci = si * 2 + b
                gather_wait(ci, b)
                wb_wait(b)
                compute(b)
                gather_start(ci + 2, b)
                wb_start(ci, b)
            return carry

        lax.fori_loop(1, n_super - 1, super_body, 0)

        for b in range(2):
            ci = (n_super - 1) * 2 + b
            gather_wait(jnp.int32(ci), b)
            wb_wait(b)
            compute(b)
            wb_start(jnp.int32(ci), b)
        for b in range(2):
            wb_wait(b)

    return sc_embed(idx, table, pe)


def kernel(input, table):
    B, S = input.shape
    V, D = table.shape
    pe = _pos_encoding(D, S)
    return _embed(input, table, pe)

# --- scband reference (transcript-rebuilt; emitter-appended) ---
"""Pipeline reference for scband-embedding-88098369175581 (READ-ONLY COPY).

The authoritative reference and input builder live on the scoring server;
editing this copy changes nothing except your own understanding.
"""

import jax, jax.numpy as jnp
import numpy as np

VOCAB = 1000000
DIM = 64
MAX_LENGTH = 200
B = 4096
S = 200


def positional_encoding(dim_embedding, max_length):
    i = jnp.arange(0, dim_embedding, 2).astype(jnp.float32) / dim_embedding
    pos = jnp.arange(0, max_length).astype(jnp.float32)[:, None]
    angle_freq = jnp.exp(i * -jnp.log(jnp.float32(10000.0)))
    out = jnp.zeros((max_length, dim_embedding), dtype=jnp.float32)
    out = out.at[:, 0::2].set(jnp.sin(pos * angle_freq))
    out = out.at[:, 1::2].set(jnp.cos(pos * angle_freq))
    return out


def setup_inputs(seed: int = 0) -> dict:
    key = jax.random.key(seed)
    k1, k2 = jax.random.split(key)
    indices = jax.random.randint(k1, (B, S), 0, VOCAB, dtype=jnp.int32)
    table = jax.random.normal(k2, (VOCAB, DIM), dtype=jnp.float32)
    return {"input": indices, "table": table}


def reference(input, table):
    sequence_length = input.shape[-1]
    # torch: embedding * dim_embedding ** 1 / 2  ==  (embedding * dim) / 2
    embedding = jnp.take(table, input, axis=0) * DIM / 2
    pos_encoding = positional_encoding(DIM, MAX_LENGTH)[:sequence_length]
    output = embedding + pos_encoding
    # dropout is identity in eval mode
    return output

if __name__ == "__main__":
    import jax
    _d = setup_inputs()
    print(jax.jit(kernel)(*tuple(_d.values())))

</pallas_src>

<mosaic_0001>
#map = affine_map<(d0, d1) -> (0, 0)>
#map1 = affine_map<(d0, d1) -> (0)>
#map2 = affine_map<(d0, d1) -> (0, 0, 0)>
module attributes {stable_mosaic.version = 14 : i64} {
  func.func @_rewritten_body(%arg0: i32, %arg1: i32, %arg2: memref<4096x200xi32, #tpu.memory_space<hbm>>, %arg3: memref<1000000x64xf32, #tpu.memory_space<hbm>>, %arg4: memref<200x64xf32, #tpu.memory_space<hbm>>, %arg5: memref<1xf32, #tpu.memory_space<hbm>>, %arg6: memref<4096x200x64xf32, #tpu.memory_space<hbm>>, %arg7: memref<128x200xi32, #tpu.memory_space<vmem>>, %arg8: memref<200x64xf32, #tpu.memory_space<vmem>>, %arg9: memref<200x64xf32, #tpu.memory_space<vmem>>, %arg10: memref<200x64xf32, #tpu.memory_space<vmem>>, %arg11: memref<200x64xf32, #tpu.memory_space<vmem>>, %arg12: memref<200x64xf32, #tpu.memory_space<vmem>>, %arg13: memref<!tpu.dma_semaphore, #tpu.memory_space<semaphore_mem>>, %arg14: memref<!tpu.dma_semaphore, #tpu.memory_space<semaphore_mem>>, %arg15: memref<!tpu.dma_semaphore, #tpu.memory_space<semaphore_mem>>, %arg16: memref<!tpu.dma_semaphore, #tpu.memory_space<semaphore_mem>>) attributes {dimension_semantics = [#tpu.dimension_semantics<core_parallel>, #tpu.dimension_semantics<subcore_parallel>], iteration_bounds = array<i64: 2, 16>, scalar_prefetch = 0 : i64, scratch_operands = 10 : i64, tpu.core_type = #tpu.core_type<sc_vector_subcore>, window_params = [{transform_indices = #map}, {transform_indices = #map}, {transform_indices = #map}, {transform_indices = #map1}, {transform_indices = #map2}]} {
    %empty_ref3A = memref.alloca() : memref<16xf32, #tpu.memory_space<vmem>>
    "tpu.region"() ({
      %run_scoped3A = tpu.sem_alloc : memref<!tpu.dma_semaphore, #tpu.memory_space<semaphore_mem>>
      %dma_start3A_131 = arith.constant 0 : i32
      %dma_start3A_132 = tpu.memref_slice %empty_ref3A[%dma_start3A_131] : memref<16xf32, #tpu.memory_space<vmem>> -> memref<1xf32, #tpu.memory_space<vmem>>
      %dma_start3A_133 = arith.constant 0 : i32
      %dma_start3A_134 = tpu.memref_slice %empty_ref3A[%dma_start3A_133] : memref<16xf32, #tpu.memory_space<vmem>> -> memref<1xf32, #tpu.memory_space<vmem>>
      tpu.enqueue_dma source(%arg5 : memref<1xf32, #tpu.memory_space<hbm>>) target(%dma_start3A_134 : memref<1xf32, #tpu.memory_space<vmem>>) target_semaphore(%run_scoped3A : memref<!tpu.dma_semaphore, #tpu.memory_space<semaphore_mem>>)
      %dma_wait3A_135 = arith.constant 0 : i32
      %dma_wait3A_136 = tpu.memref_slice %empty_ref3A[%dma_wait3A_135] : memref<16xf32, #tpu.memory_space<vmem>> -> memref<1xf32, #tpu.memory_space<vmem>>
      %dma_wait3A_137 = arith.constant 0 : i32
      %dma_wait3A_138 = tpu.memref_slice %empty_ref3A[%dma_wait3A_137] : memref<16xf32, #tpu.memory_space<vmem>> -> memref<1xf32, #tpu.memory_space<vmem>>
      tpu.wait_dma2 semaphore(%run_scoped3A : memref<!tpu.dma_semaphore, #tpu.memory_space<semaphore_mem>>) src(%arg5 : memref<1xf32, #tpu.memory_space<hbm>>) dst(%dma_wait3A_138 : memref<1xf32, #tpu.memory_space<vmem>>)
      tpu.yield
    }) : () -> ()
    %get3A = arith.constant 0 : index
    %get3A_0 = tpu.vector_load %empty_ref3A[%get3A] {strides = array<i32>} : memref<16xf32, #tpu.memory_space<vmem>>, vector<16xf32>,
    %get3A_1 = vector.shape_cast %get3A_0 : vector<16xf32> to vector<16xf32>
    %slice3A = vector.extract_strided_slice %get3A_1 {offsets = [0], sizes = [1], strides = [1]} : vector<16xf32> to vector<1xf32>
    %squeeze3A = vector.extract %slice3A[0] : f32 from vector<1xf32>
    %mul3A = arith.constant 2 : i32
    %mul3A_2 = arith.muli %arg1, %mul3A : i32
    %add3A = arith.addi %mul3A_2, %arg0 : i32
    %mul3A_3 = arith.constant 128 : i32
    %mul3A_4 = arith.muli %add3A, %mul3A_3 : i32
    "tpu.region"() ({
      %run_scoped3A = tpu.sem_alloc : memref<!tpu.dma_semaphore, #tpu.memory_space<semaphore_mem>>
      tpu.enqueue_dma source(%arg4 : memref<200x64xf32, #tpu.memory_space<hbm>>) target(%arg12 : memref<200x64xf32, #tpu.memory_space<vmem>>) target_semaphore(%run_scoped3A : memref<!tpu.dma_semaphore, #tpu.memory_space<semaphore_mem>>)
      tpu.wait_dma2 semaphore(%run_scoped3A : memref<!tpu.dma_semaphore, #tpu.memory_space<semaphore_mem>>) src(%arg4 : memref<200x64xf32, #tpu.memory_space<hbm>>) dst(%arg12 : memref<200x64xf32, #tpu.memory_space<vmem>>)
      tpu.yield
    }) : () -> ()
    "tpu.region"() ({
      %run_scoped3A = tpu.sem_alloc : memref<!tpu.dma_semaphore, #tpu.memory_space<semaphore_mem>>
      %dma_start3A_131 = arith.constant 0 : i32
      %dma_start3A_132 = tpu.memref_slice %arg2[%mul3A_4, %dma_start3A_131] : memref<4096x200xi32, #tpu.memory_space<hbm>> -> memref<128x200xi32, #tpu.memory_space<hbm>>
      %dma_start3A_133 = arith.constant 0 : i32
      %dma_start3A_134 = tpu.memref_slice %arg2[%mul3A_4, %dma_start3A_133] : memref<4096x200xi32, #tpu.memory_space<hbm>> -> memref<128x200xi32, #tpu.memory_space<hbm>>
      tpu.enqueue_dma source(%dma_start3A_134 : memref<128x200xi32, #tpu.memory_space<hbm>>) target(%arg7 : memref<128x200xi32, #tpu.memory_space<vmem>>) target_semaphore(%run_scoped3A : memref<!tpu.dma_semaphore, #tpu.memory_space<semaphore_mem>>)
      %dma_wait3A_135 = arith.constant 0 : i32
      %dma_wait3A_136 = tpu.memref_slice %arg2[%mul3A_4, %dma_wait3A_135] : memref<4096x200xi32, #tpu.memory_space<hbm>> -> memref<128x200xi32, #tpu.memory_space<hbm>>
      %dma_wait3A_137 = arith.constant 0 : i32
      %dma_wait3A_138 = tpu.memref_slice %arg2[%mul3A_4, %dma_wait3A_137] : memref<4096x200xi32, #tpu.memory_space<hbm>> -> memref<128x200xi32, #tpu.memory_space<hbm>>
      tpu.wait_dma2 semaphore(%run_scoped3A : memref<!tpu.dma_semaphore, #tpu.memory_space<semaphore_mem>>) src(%dma_wait3A_138 : memref<128x200xi32, #tpu.memory_space<hbm>>) dst(%arg7 : memref<128x200xi32, #tpu.memory_space<vmem>>)
      tpu.yield
    }) : () -> ()
    %get3A_5 = arith.constant 0 : i32
    %get3A_6 = arith.index_cast %get3A_5 : i32 to index
    %get3A_7 = arith.constant 0 : index
    %get3A_8 = tpu.vector_load %arg8[%get3A_6, %get3A_7] {strides = array<i32>} : memref<200x64xf32, #tpu.memory_space<vmem>>, vector<1x16xf32>,
    %get3A_9 = vector.shape_cast %get3A_8 : vector<1x16xf32> to vector<16xf32>
    %mul3A_10 = vector.broadcast %squeeze3A : f32 to vector<16xf32>
    %mul3A_11 = arith.mulf %get3A_9, %mul3A_10 : vector<16xf32>
    %swap3A = arith.constant 0 : i32
    %swap3A_12 = arith.index_cast %swap3A : i32 to index
    %swap3A_13 = arith.constant 0 : index
    %swap3A_14 = tpu.vector_load %arg10[%swap3A_12, %swap3A_13] {strides = array<i32>} : memref<200x64xf32, #tpu.memory_space<vmem>>, vector<1x16xf32>,
    %swap3A_15 = vector.shape_cast %swap3A_14 : vector<1x16xf32> to vector<16xf32>
    %swap3A_16 = vector.shape_cast %mul3A_11 : vector<16xf32> to vector<1x16xf32>
    tpu.vector_store %arg10[%swap3A_12, %swap3A_13], %swap3A_16 {strides = array<i32>} : memref<200x64xf32, #tpu.memory_space<vmem>>, vector<1x16xf32>,
    %add3A_17 = arith.constant 0 : i32
    %add3A_18 = arith.addi %mul3A_4, %add3A_17 : i32
    %dma_start3A = arith.constant 0 : i32
    %dma_start3A_19 = arith.constant 0 : i32
    %dma_start3A_20 = tpu.memref_slice %arg6[%add3A_18, %dma_start3A, %dma_start3A_19] : memref<4096x200x64xf32, #tpu.memory_space<hbm>> -> memref<1x200x64xf32, #tpu.memory_space<hbm>>
    %dma_start3A_21 = tpu.memref_squeeze %dma_start3A_20 : memref<1x200x64xf32, #tpu.memory_space<hbm>> -> memref<200x64xf32, #tpu.memory_space<hbm>>
    %dma_start3A_22 = arith.constant 0 : i32
    %dma_start3A_23 = arith.constant 0 : i32
    %dma_start3A_24 = tpu.memref_slice %arg6[%add3A_18, %dma_start3A_22, %dma_start3A_23] : memref<4096x200x64xf32, #tpu.memory_space<hbm>> -> memref<1x200x64xf32, #tpu.memory_space<hbm>>
    %dma_start3A_25 = tpu.memref_squeeze %dma_start3A_24 : memref<1x200x64xf32, #tpu.memory_space<hbm>> -> memref<200x64xf32, #tpu.memory_space<hbm>>
    tpu.enqueue_dma source(%arg10 : memref<200x64xf32, #tpu.memory_space<vmem>>) target(%dma_start3A_25 : memref<200x64xf32, #tpu.memory_space<hbm>>) target_semaphore(%arg15 : memref<!tpu.dma_semaphore, #tpu.memory_space<semaphore_mem>>)
    %get3A_26 = arith.constant 0 : i32
    %get3A_27 = arith.index_cast %get3A_26 : i32 to index
    %get3A_28 = arith.constant 0 : index
    %get3A_29 = tpu.vector_load %arg9[%get3A_27, %get3A_28] {strides = array<i32>} : memref<200x64xf32, #tpu.memory_space<vmem>>, vector<1x16xf32>,
    %get3A_30 = vector.shape_cast %get3A_29 : vector<1x16xf32> to vector<16xf32>
    %mul3A_31 = vector.broadcast %squeeze3A : f32 to vector<16xf32>
    %mul3A_32 = arith.mulf %get3A_30, %mul3A_31 : vector<16xf32>
    %swap3A_33 = arith.constant 0 : i32
    %swap3A_34 = arith.index_cast %swap3A_33 : i32 to index
    %swap3A_35 = arith.constant 0 : index
    %swap3A_36 = tpu.vector_load %arg11[%swap3A_34, %swap3A_35] {strides = array<i32>} : memref<200x64xf32, #tpu.memory_space<vmem>>, vector<1x16xf32>,
    %swap3A_37 = vector.shape_cast %swap3A_36 : vector<1x16xf32> to vector<16xf32>
    %swap3A_38 = vector.shape_cast %mul3A_32 : vector<16xf32> to vector<1x16xf32>
    tpu.vector_store %arg11[%swap3A_34, %swap3A_35], %swap3A_38 {strides = array<i32>} : memref<200x64xf32, #tpu.memory_space<vmem>>, vector<1x16xf32>,
    %add3A_39 = arith.constant 1 : i32
    %add3A_40 = arith.addi %mul3A_4, %add3A_39 : i32
    %dma_start3A_41 = arith.constant 0 : i32
    %dma_start3A_42 = arith.constant 0 : i32
    %dma_start3A_43 = tpu.memref_slice %arg6[%add3A_40, %dma_start3A_41, %dma_start3A_42] : memref<4096x200x64xf32, #tpu.memory_space<hbm>> -> memref<1x200x64xf32, #tpu.memory_space<hbm>>
    %dma_start3A_44 = tpu.memref_squeeze %dma_start3A_43 : memref<1x200x64xf32, #tpu.memory_space<hbm>> -> memref<200x64xf32, #tpu.memory_space<hbm>>
    %dma_start3A_45 = arith.constant 0 : i32
    %dma_start3A_46 = arith.constant 0 : i32
    %dma_start3A_47 = tpu.memref_slice %arg6[%add3A_40, %dma_start3A_45, %dma_start3A_46] : memref<4096x200x64xf32, #tpu.memory_space<hbm>> -> memref<1x200x64xf32, #tpu.memory_space<hbm>>
    %dma_start3A_48 = tpu.memref_squeeze %dma_start3A_47 : memref<1x200x64xf32, #tpu.memory_space<hbm>> -> memref<200x64xf32, #tpu.memory_space<hbm>>
    tpu.enqueue_dma source(%arg11 : memref<200x64xf32, #tpu.memory_space<vmem>>) target(%dma_start3A_48 : memref<200x64xf32, #tpu.memory_space<hbm>>) target_semaphore(%arg16 : memref<!tpu.dma_semaphore, #tpu.memory_space<semaphore_mem>>)
    %scan3A = arith.constant 0 : i32
    %scan3A_49 = arith.constant 1 : i32
    %scan3A_50 = arith.constant 62 : i32
    %scan3A_51 = arith.addi %scan3A_49, %scan3A_50 : i32
    %scan3A_52 = arith.constant 1 : i32
    scf.for %scan3A_131 = %scan3A_49 to %scan3A_51 step %scan3A_52  : i32 {
      %mul3A_132 = arith.constant 2 : i32
      %mul3A_133 = arith.muli %scan3A_131, %mul3A_132 : i32
      %add3A_134 = arith.constant 0 : i32
      %add3A_135 = arith.addi %mul3A_133, %add3A_134 : i32
      %dma_wait3A_136 = arith.constant 0 : i32
      %dma_wait3A_137 = arith.constant 0 : i32
      %dma_wait3A_138 = tpu.memref_slice %arg6[%mul3A_4, %dma_wait3A_136, %dma_wait3A_137] : memref<4096x200x64xf32, #tpu.memory_space<hbm>> -> memref<1x200x64xf32, #tpu.memory_space<hbm>>
      %dma_wait3A_139 = tpu.memref_squeeze %dma_wait3A_138 : memref<1x200x64xf32, #tpu.memory_space<hbm>> -> memref<200x64xf32, #tpu.memory_space<hbm>>
      %dma_wait3A_140 = arith.constant 0 : i32
      %dma_wait3A_141 = arith.constant 0 : i32
      %dma_wait3A_142 = tpu.memref_slice %arg6[%mul3A_4, %dma_wait3A_140, %dma_wait3A_141] : memref<4096x200x64xf32, #tpu.memory_space<hbm>> -> memref<1x200x64xf32, #tpu.memory_space<hbm>>
      %dma_wait3A_143 = tpu.memref_squeeze %dma_wait3A_142 : memref<1x200x64xf32, #tpu.memory_space<hbm>> -> memref<200x64xf32, #tpu.memory_space<hbm>>
      tpu.wait_dma2 semaphore(%arg15 : memref<!tpu.dma_semaphore, #tpu.memory_space<semaphore_mem>>) src(%arg10 : memref<200x64xf32, #tpu.memory_space<vmem>>) dst(%dma_wait3A_143 : memref<200x64xf32, #tpu.memory_space<hbm>>)
      %get3A_144 = arith.constant 0 : i32
      %get3A_145 = arith.index_cast %get3A_144 : i32 to index
      %get3A_146 = arith.constant 0 : index
      %get3A_147 = tpu.vector_load %arg8[%get3A_145, %get3A_146] {strides = array<i32>} : memref<200x64xf32, #tpu.memory_space<vmem>>, vector<1x16xf32>,
      %get3A_148 = vector.shape_cast %get3A_147 : vector<1x16xf32> to vector<16xf32>
      %mul3A_149 = vector.broadcast %squeeze3A : f32 to vector<16xf32>
      %mul3A_150 = arith.mulf %get3A_148, %mul3A_149 : vector<16xf32>
      %swap3A_151 = arith.constant 0 : i32
      %swap3A_152 = arith.index_cast %swap3A_151 : i32 to index
      %swap3A_153 = arith.constant 0 : index
      %swap3A_154 = tpu.vector_load %arg10[%swap3A_152, %swap3A_153] {strides = array<i32>} : memref<200x64xf32, #tpu.memory_space<vmem>>, vector<1x16xf32>,
      %swap3A_155 = vector.shape_cast %swap3A_154 : vector<1x16xf32> to vector<16xf32>
      %swap3A_156 = vector.shape_cast %mul3A_150 : vector<16xf32> to vector<1x16xf32>
      tpu.vector_store %arg10[%swap3A_152, %swap3A_153], %swap3A_156 {strides = array<i32>} : memref<200x64xf32, #tpu.memory_space<vmem>>, vector<1x16xf32>,
      %add3A_157 = arith.constant 2 : i32
      %add3A_158 = arith.addi %add3A_135, %add3A_157 : i32
      %add3A_159 = arith.addi %mul3A_4, %add3A_135 : i32
      %dma_start3A_160 = arith.constant 0 : i32
      %dma_start3A_161 = arith.constant 0 : i32
      %dma_start3A_162 = tpu.memref_slice %arg6[%add3A_159, %dma_start3A_160, %dma_start3A_161] : memref<4096x200x64xf32, #tpu.memory_space<hbm>> -> memref<1x200x64xf32, #tpu.memory_space<hbm>>
      %dma_start3A_163 = tpu.memref_squeeze %dma_start3A_162 : memref<1x200x64xf32, #tpu.memory_space<hbm>> -> memref<200x64xf32, #tpu.memory_space<hbm>>
      %dma_start3A_164 = arith.constant 0 : i32
      %dma_start3A_165 = arith.constant 0 : i32
      %dma_start3A_166 = tpu.memref_slice %arg6[%add3A_159, %dma_start3A_164, %dma_start3A_165] : memref<4096x200x64xf32, #tpu.memory_space<hbm>> -> memref<1x200x64xf32, #tpu.memory_space<hbm>>
      %dma_start3A_167 = tpu.memref_squeeze %dma_start3A_166 : memref<1x200x64xf32, #tpu.memory_space<hbm>> -> memref<200x64xf32, #tpu.memory_space<hbm>>
      tpu.enqueue_dma source(%arg10 : memref<200x64xf32, #tpu.memory_space<vmem>>) target(%dma_start3A_167 : memref<200x64xf32, #tpu.memory_space<hbm>>) target_semaphore(%arg15 : memref<!tpu.dma_semaphore, #tpu.memory_space<semaphore_mem>>)
      %mul3A_168 = arith.constant 2 : i32
      %mul3A_169 = arith.muli %scan3A_131, %mul3A_168 : i32
      %add3A_170 = arith.constant 1 : i32
      %add3A_171 = arith.addi %mul3A_169, %add3A_170 : i32
      %dma_wait3A_172 = arith.constant 0 : i32
      %dma_wait3A_173 = arith.constant 0 : i32
      %dma_wait3A_174 = tpu.memref_slice %arg6[%mul3A_4, %dma_wait3A_172, %dma_wait3A_173] : memref<4096x200x64xf32, #tpu.memory_space<hbm>> -> memref<1x200x64xf32, #tpu.memory_space<hbm>>
      %dma_wait3A_175 = tpu.memref_squeeze %dma_wait3A_174 : memref<1x200x64xf32, #tpu.memory_space<hbm>> -> memref<200x64xf32, #tpu.memory_space<hbm>>
      %dma_wait3A_176 = arith.constant 0 : i32
      %dma_wait3A_177 = arith.constant 0 : i32
      %dma_wait3A_178 = tpu.memref_slice %arg6[%mul3A_4, %dma_wait3A_176, %dma_wait3A_177] : memref<4096x200x64xf32, #tpu.memory_space<hbm>> -> memref<1x200x64xf32, #tpu.memory_space<hbm>>
      %dma_wait3A_179 = tpu.memref_squeeze %dma_wait3A_178 : memref<1x200x64xf32, #tpu.memory_space<hbm>> -> memref<200x64xf32, #tpu.memory_space<hbm>>
      tpu.wait_dma2 semaphore(%arg16 : memref<!tpu.dma_semaphore, #tpu.memory_space<semaphore_mem>>) src(%arg11 : memref<200x64xf32, #tpu.memory_space<vmem>>) dst(%dma_wait3A_179 : memref<200x64xf32, #tpu.memory_space<hbm>>)
      %get3A_180 = arith.constant 0 : i32
      %get3A_181 = arith.index_cast %get3A_180 : i32 to index
      %get3A_182 = arith.constant 0 : index
      %get3A_183 = tpu.vector_load %arg9[%get3A_181, %get3A_182] {strides = array<i32>} : memref<200x64xf32, #tpu.memory_space<vmem>>, vector<1x16xf32>,
      %get3A_184 = vector.shape_cast %get3A_183 : vector<1x16xf32> to vector<16xf32>
      %mul3A_185 = vector.broadcast %squeeze3A : f32 to vector<16xf32>
      %mul3A_186 = arith.mulf %get3A_184, %mul3A_185 : vector<16xf32>
      %swap3A_187 = arith.constant 0 : i32
      %swap3A_188 = arith.index_cast %swap3A_187 : i32 to index
      %swap3A_189 = arith.constant 0 : index
      %swap3A_190 = tpu.vector_load %arg11[%swap3A_188, %swap3A_189] {strides = array<i32>} : memref<200x64xf32, #tpu.memory_space<vmem>>, vector<1x16xf32>,
      %swap3A_191 = vector.shape_cast %swap3A_190 : vector<1x16xf32> to vector<16xf32>
      %swap3A_192 = vector.shape_cast %mul3A_186 : vector<16xf32> to vector<1x16xf32>
      tpu.vector_store %arg11[%swap3A_188, %swap3A_189], %swap3A_192 {strides = array<i32>} : memref<200x64xf32, #tpu.memory_space<vmem>>, vector<1x16xf32>,
      %add3A_193 = arith.constant 2 : i32
      %add3A_194 = arith.addi %add3A_171, %add3A_193 : i32
      %add3A_195 = arith.addi %mul3A_4, %add3A_171 : i32
      %dma_start3A_196 = arith.constant 0 : i32
      %dma_start3A_197 = arith.constant 0 : i32
      %dma_start3A_198 = tpu.memref_slice %arg6[%add3A_195, %dma_start3A_196, %dma_start3A_197] : memref<4096x200x64xf32, #tpu.memory_space<hbm>> -> memref<1x200x64xf32, #tpu.memory_space<hbm>>
      %dma_start3A_199 = tpu.memref_squeeze %dma_start3A_198 : memref<1x200x64xf32, #tpu.memory_space<hbm>> -> memref<200x64xf32, #tpu.memory_space<hbm>>
      %dma_start3A_200 = arith.constant 0 : i32
      %dma_start3A_201 = arith.constant 0 : i32
      %dma_start3A_202 = tpu.memref_slice %arg6[%add3A_195, %dma_start3A_200, %dma_start3A_201] : memref<4096x200x64xf32, #tpu.memory_space<hbm>> -> memref<1x200x64xf32, #tpu.memory_space<hbm>>
      %dma_start3A_203 = tpu.memref_squeeze %dma_start3A_202 : memref<1x200x64xf32, #tpu.memory_space<hbm>> -> memref<200x64xf32, #tpu.memory_space<hbm>>
      tpu.enqueue_dma source(%arg11 : memref<200x64xf32, #tpu.memory_space<vmem>>) target(%dma_start3A_203 : memref<200x64xf32, #tpu.memory_space<hbm>>) target_semaphore(%arg16 : memref<!tpu.dma_semaphore, #tpu.memory_space<semaphore_mem>>)
    }
    %scan3A_53 = arith.constant 62 : i32
    %dma_wait3A = arith.constant 0 : i32
    %dma_wait3A_54 = arith.constant 0 : i32
    %dma_wait3A_55 = tpu.memref_slice %arg6[%mul3A_4, %dma_wait3A, %dma_wait3A_54] : memref<4096x200x64xf32, #tpu.memory_space<hbm>> -> memref<1x200x64xf32, #tpu.memory_space<hbm>>
    %dma_wait3A_56 = tpu.memref_squeeze %dma_wait3A_55 : memref<1x200x64xf32, #tpu.memory_space<hbm>> -> memref<200x64xf32, #tpu.memory_space<hbm>>
    %dma_wait3A_57 = arith.constant 0 : i32
    %dma_wait3A_58 = arith.constant 0 : i32
    %dma_wait3A_59 = tpu.memref_slice %arg6[%mul3A_4, %dma_wait3A_57, %dma_wait3A_58] : memref<4096x200x64xf32, #tpu.memory_space<hbm>> -> memref<1x200x64xf32, #tpu.memory_space<hbm>>
    %dma_wait3A_60 = tpu.memref_squeeze %dma_wait3A_59 : memref<1x200x64xf32, #tpu.memory_space<hbm>> -> memref<200x64xf32, #tpu.memory_space<hbm>>
    tpu.wait_dma2 semaphore(%arg15 : memref<!tpu.dma_semaphore, #tpu.memory_space<semaphore_mem>>) src(%arg10 : memref<200x64xf32, #tpu.memory_space<vmem>>) dst(%dma_wait3A_60 : memref<200x64xf32, #tpu.memory_space<hbm>>)
    %get3A_61 = arith.constant 0 : i32
    %get3A_62 = arith.index_cast %get3A_61 : i32 to index
    %get3A_63 = arith.constant 0 : index
    %get3A_64 = tpu.vector_load %arg8[%get3A_62, %get3A_63] {strides = array<i32>} : memref<200x64xf32, #tpu.memory_space<vmem>>, vector<1x16xf32>,
    %get3A_65 = vector.shape_cast %get3A_64 : vector<1x16xf32> to vector<16xf32>
    %mul3A_66 = vector.broadcast %squeeze3A : f32 to vector<16xf32>
    %mul3A_67 = arith.mulf %get3A_65, %mul3A_66 : vector<16xf32>
    %swap3A_68 = arith.constant 0 : i32
    %swap3A_69 = arith.index_cast %swap3A_68 : i32 to index
    %swap3A_70 = arith.constant 0 : index
    %swap3A_71 = tpu.vector_load %arg10[%swap3A_69, %swap3A_70] {strides = array<i32>} : memref<200x64xf32, #tpu.memory_space<vmem>>, vector<1x16xf32>,
    %swap3A_72 = vector.shape_cast %swap3A_71 : vector<1x16xf32> to vector<16xf32>
    %swap3A_73 = vector.shape_cast %mul3A_67 : vector<16xf32> to vector<1x16xf32>
    tpu.vector_store %arg10[%swap3A_69, %swap3A_70], %swap3A_73 {strides = array<i32>} : memref<200x64xf32, #tpu.memory_space<vmem>>, vector<1x16xf32>,
    %add3A_74 = arith.constant 126 : i32
    %add3A_75 = arith.addi %mul3A_4, %add3A_74 : i32
    %dma_start3A_76 = arith.constant 0 : i32
    %dma_start3A_77 = arith.constant 0 : i32
    %dma_start3A_78 = tpu.memref_slice %arg6[%add3A_75, %dma_start3A_76, %dma_start3A_77] : memref<4096x200x64xf32, #tpu.memory_space<hbm>> -> memref<1x200x64xf32, #tpu.memory_space<hbm>>
    %dma_start3A_79 = tpu.memref_squeeze %dma_start3A_78 : memref<1x200x64xf32, #tpu.memory_space<hbm>> -> memref<200x64xf32, #tpu.memory_space<hbm>>
    %dma_start3A_80 = arith.constant 0 : i32
    %dma_start3A_81 = arith.constant 0 : i32
    %dma_start3A_82 = tpu.memref_slice %arg6[%add3A_75, %dma_start3A_80, %dma_start3A_81] : memref<4096x200x64xf32, #tpu.memory_space<hbm>> -> memref<1x200x64xf32, #tpu.memory_space<hbm>>
    %dma_start3A_83 = tpu.memref_squeeze %dma_start3A_82 : memref<1x200x64xf32, #tpu.memory_space<hbm>> -> memref<200x64xf32, #tpu.memory_space<hbm>>
    tpu.enqueue_dma source(%arg10 : memref<200x64xf32, #tpu.memory_space<vmem>>) target(%dma_start3A_83 : memref<200x64xf32, #tpu.memory_space<hbm>>) target_semaphore(%arg15 : memref<!tpu.dma_semaphore, #tpu.memory_space<semaphore_mem>>)
    %dma_wait3A_84 = arith.constant 0 : i32
    %dma_wait3A_85 = arith.constant 0 : i32
    %dma_wait3A_86 = tpu.memref_slice %arg6[%mul3A_4, %dma_wait3A_84, %dma_wait3A_85] : memref<4096x200x64xf32, #tpu.memory_space<hbm>> -> memref<1x200x64xf32, #tpu.memory_space<hbm>>
    %dma_wait3A_87 = tpu.memref_squeeze %dma_wait3A_86 : memref<1x200x64xf32, #tpu.memory_space<hbm>> -> memref<200x64xf32, #tpu.memory_space<hbm>>
    %dma_wait3A_88 = arith.constant 0 : i32
    %dma_wait3A_89 = arith.constant 0 : i32
    %dma_wait3A_90 = tpu.memref_slice %arg6[%mul3A_4, %dma_wait3A_88, %dma_wait3A_89] : memref<4096x200x64xf32, #tpu.memory_space<hbm>> -> memref<1x200x64xf32, #tpu.memory_space<hbm>>
    %dma_wait3A_91 = tpu.memref_squeeze %dma_wait3A_90 : memref<1x200x64xf32, #tpu.memory_space<hbm>> -> memref<200x64xf32, #tpu.memory_space<hbm>>
    tpu.wait_dma2 semaphore(%arg16 : memref<!tpu.dma_semaphore, #tpu.memory_space<semaphore_mem>>) src(%arg11 : memref<200x64xf32, #tpu.memory_space<vmem>>) dst(%dma_wait3A_91 : memref<200x64xf32, #tpu.memory_space<hbm>>)
    %get3A_92 = arith.constant 0 : i32
    %get3A_93 = arith.index_cast %get3A_92 : i32 to index
    %get3A_94 = arith.constant 0 : index
    %get3A_95 = tpu.vector_load %arg9[%get3A_93, %get3A_94] {strides = array<i32>} : memref<200x64xf32, #tpu.memory_space<vmem>>, vector<1x16xf32>,
    %get3A_96 = vector.shape_cast %get3A_95 : vector<1x16xf32> to vector<16xf32>
    %mul3A_97 = vector.broadcast %squeeze3A : f32 to vector<16xf32>
    %mul3A_98 = arith.mulf %get3A_96, %mul3A_97 : vector<16xf32>
    %swap3A_99 = arith.constant 0 : i32
    %swap3A_100 = arith.index_cast %swap3A_99 : i32 to index
    %swap3A_101 = arith.constant 0 : index
    %swap3A_102 = tpu.vector_load %arg11[%swap3A_100, %swap3A_101] {strides = array<i32>} : memref<200x64xf32, #tpu.memory_space<vmem>>, vector<1x16xf32>,
    %swap3A_103 = vector.shape_cast %swap3A_102 : vector<1x16xf32> to vector<16xf32>
    %swap3A_104 = vector.shape_cast %mul3A_98 : vector<16xf32> to vector<1x16xf32>
    tpu.vector_store %arg11[%swap3A_100, %swap3A_101], %swap3A_104 {strides = array<i32>} : memref<200x64xf32, #tpu.memory_space<vmem>>, vector<1x16xf32>,
    %add3A_105 = arith.constant 127 : i32
    %add3A_106 = arith.addi %mul3A_4, %add3A_105 : i32
    %dma_start3A_107 = arith.constant 0 : i32
    %dma_start3A_108 = arith.constant 0 : i32
    %dma_start3A_109 = tpu.memref_slice %arg6[%add3A_106, %dma_start3A_107, %dma_start3A_108] : memref<4096x200x64xf32, #tpu.memory_space<hbm>> -> memref<1x200x64xf32, #tpu.memory_space<hbm>>
    %dma_start3A_110 = tpu.memref_squeeze %dma_start3A_109 : memref<1x200x64xf32, #tpu.memory_space<hbm>> -> memref<200x64xf32, #tpu.memory_space<hbm>>
    %dma_start3A_111 = arith.constant 0 : i32
    %dma_start3A_112 = arith.constant 0 : i32
    %dma_start3A_113 = tpu.memref_slice %arg6[%add3A_106, %dma_start3A_111, %dma_start3A_112] : memref<4096x200x64xf32, #tpu.memory_space<hbm>> -> memref<1x200x64xf32, #tpu.memory_space<hbm>>
    %dma_start3A_114 = tpu.memref_squeeze %dma_start3A_113 : memref<1x200x64xf32, #tpu.memory_space<hbm>> -> memref<200x64xf32, #tpu.memory_space<hbm>>
    tpu.enqueue_dma source(%arg11 : memref<200x64xf32, #tpu.memory_space<vmem>>) target(%dma_start3A_114 : memref<200x64xf32, #tpu.memory_space<hbm>>) target_semaphore(%arg16 : memref<!tpu.dma_semaphore, #tpu.memory_space<semaphore_mem>>)
    %dma_wait3A_115 = arith.constant 0 : i32
    %dma_wait3A_116 = arith.constant 0 : i32
    %dma_wait3A_117 = tpu.memref_slice %arg6[%mul3A_4, %dma_wait3A_115, %dma_wait3A_116] : memref<4096x200x64xf32, #tpu.memory_space<hbm>> -> memref<1x200x64xf32, #tpu.memory_space<hbm>>
    %dma_wait3A_118 = tpu.memref_squeeze %dma_wait3A_117 : memref<1x200x64xf32, #tpu.memory_space<hbm>> -> memref<200x64xf32, #tpu.memory_space<hbm>>
    %dma_wait3A_119 = arith.constant 0 : i32
    %dma_wait3A_120 = arith.constant 0 : i32
    %dma_wait3A_121 = tpu.memref_slice %arg6[%mul3A_4, %dma_wait3A_119, %dma_wait3A_120] : memref<4096x200x64xf32, #tpu.memory_space<hbm>> -> memref<1x200x64xf32, #tpu.memory_space<hbm>>
    %dma_wait3A_122 = tpu.memref_squeeze %dma_wait3A_121 : memref<1x200x64xf32, #tpu.memory_space<hbm>> -> memref<200x64xf32, #tpu.memory_space<hbm>>
    tpu.wait_dma2 semaphore(%arg15 : memref<!tpu.dma_semaphore, #tpu.memory_space<semaphore_mem>>) src(%arg10 : memref<200x64xf32, #tpu.memory_space<vmem>>) dst(%dma_wait3A_122 : memref<200x64xf32, #tpu.memory_space<hbm>>)
    %dma_wait3A_123 = arith.constant 0 : i32
    %dma_wait3A_124 = arith.constant 0 : i32
    %dma_wait3A_125 = tpu.memref_slice %arg6[%mul3A_4, %dma_wait3A_123, %dma_wait3A_124] : memref<4096x200x64xf32, #tpu.memory_space<hbm>> -> memref<1x200x64xf32, #tpu.memory_space<hbm>>
    %dma_wait3A_126 = tpu.memref_squeeze %dma_wait3A_125 : memref<1x200x64xf32, #tpu.memory_space<hbm>> -> memref<200x64xf32, #tpu.memory_space<hbm>>
    %dma_wait3A_127 = arith.constant 0 : i32
    %dma_wait3A_128 = arith.constant 0 : i32
    %dma_wait3A_129 = tpu.memref_slice %arg6[%mul3A_4, %dma_wait3A_127, %dma_wait3A_128] : memref<4096x200x64xf32, #tpu.memory_space<hbm>> -> memref<1x200x64xf32, #tpu.memory_space<hbm>>
    %dma_wait3A_130 = tpu.memref_squeeze %dma_wait3A_129 : memref<1x200x64xf32, #tpu.memory_space<hbm>> -> memref<200x64xf32, #tpu.memory_space<hbm>>
    tpu.wait_dma2 semaphore(%arg16 : memref<!tpu.dma_semaphore, #tpu.memory_space<semaphore_mem>>) src(%arg11 : memref<200x64xf32, #tpu.memory_space<vmem>>) dst(%dma_wait3A_130 : memref<200x64xf32, #tpu.memory_space<hbm>>)
    return
  }
}

</mosaic_0001>

<sc_bundles>
// kernel: _embed.3.cloned.1.call-start
scs
__scs_entry_jumppad:
0x0: {  	(pc) =	sbr.rel $0x88, $3  }
0x1: {  	(tag) =	ssettag $0x0;
	lr =	simm.s32 $0x1  }
0x2: {  	[smem:$0x3F9E] =	sst lr;
	_ =	strace $0xD0000000  }
0x3: {  	_ = 	snop  }
0x4: {  	_ = 	snop  }
0x5: {  	_ = 	snop  }
0x6: {  	_ = 	snop  }
0x7: {  	_ = 	snop  }
__scs_overlays_trampoline_lowered:
0x8: {  	[smem:$0x3FAD] =	sst s0  }
0x9: {  	[smem:$0x3FAE] =	sst s1  }
0xa: {  	[smem:$0x3FAF] =	sst s2  }
0xb: {  	[smem:$0x3FB0] =	sst s3  }
0xc: {  	[smem:$0x3FB1] =	sst s4  }
0xd: {  	[smem:$0x3FB2] =	sst s5  }
0xe: {  	[smem:$0x3FB3] =	sst s6  }
0xf: {  	[smem:$0x3FB4] =	sst s7  }
0x10: {  	[smem:$0x3FB5] =	sst s8  }
0x11: {  	[smem:$0x3FB6] =	sst s9;
	s0 =	simm.s32 @!p0 $0x0  }
0x12: {  	s1 =	sld [smem:$0x3F9C];
	s0 =	simm.s32 @p0 $0x1  }
0x13: {  	[smem:$0x3FB7] =	sst s0;
	s0 =	simm.s32 @!p1 $0x0  }
0x14: {  	s2 =	sld [smem:$0x3F9B];
	s0 =	simm.s32 @p1 $0x1  }
0x15: {  	[smem:$0x3FB8] =	sst s0;
	s0 =	simm.s32 @!p2 $0x0  }
0x16: {  	s3 =	sld [smem:$0x3FDB];
	s0 =	simm.s32 @p2 $0x1  }
0x17: {  	s4 =	simm.s32 $0x1BF5;
	[smem:$0x3FBA] =	sst s0  }
0x18: {  	s0 =	sld [smem:$0x3F9D];
	_ =	swait.ge [sflag:s4], $0x0  }
0x19: {  	s7 =	sld [smem:$0x3F9E]  }
0x1a: {  	s8 =	sadd.s32 $0xFFFFE003, lr  }
0x1b: {  	s9 =	sadd.s32 $0xFFFFFEF7, lr;
	s5 =	simm.s32 $0xFFFFFFFF;
	p2 =	slt.u32 s8, $0xFFFFF086  }
0x1c: {  	p1 =	slt.u32 s9, $0xF7A;
	s5 =	simm.s32 @!p2 $0x0  }
0x1d: {  	s5 =	simm.s32 @p1 $0x1;
	p0 =	seq.s32 s7, s2  }
0x1e: {  	s7 =	smul.u32 @!p0 $0xF7A, s2;
	p2 =	seq.s32 @!p0 s5, $0x0  }
0x1f: {  	s9 =	smul.u32 $0xF7A, s1;
	s8 =	simm.s32 @!p0 $0x1BF5;
	p2 =	por !p2, p0  }
0x20: {  	[sflag:s8] =	ssyncset.s32 @!p0 $0xFFFFF086;
	s6 =	sadd.s32 @!p0 s3, s7;
	s7 =	simm.s32 @!p0 $0x108  }
0x21: {  	s3 =	sadd.s32 s3, s9;
	s6 =	sadd.s32 @!p0 $0x88, s6;
	s7 =	simm.s32 @p2 $0x1082  }
0x22: {  	[simem:s7], [sflag:s8] =	dma.local @!p0 [hbm:s6], $0xF7A  }
0x23: {  	s9 =	sor.u32 $0xD0000000, s2;
	s6 =	simm.s32 $0x108;
	_ =	swait.ge @!p0 [sflag:s8], $0x0  }
0x24: {  	s3 =	sadd.s32 $0x88, s3;
	s6 =	simm.s32 @!p1 $0x1082;
	[sflag:s4] =	ssyncset.s32 $0xFFFFF086  }
0x25: {  	[simem:s6], [sflag:s4] =	dma.local [hbm:s3], $0xF7A  }
0x26: {  	[smem:$0x3F9E] =	sst s1;
	(tag) =	ssettag s2;
	_ =	strace s9  }
0x27: {  	s1 =	sld [smem:$0x3FAE]  }
0x28: {  	s2 =	sld [smem:$0x3FAF]  }
0x29: {  	s4 =	sld [smem:$0x3FB1]  }
0x2a: {  	p0 =	seq.s32 s5, $0x0;
	s5 =	sld [smem:$0x3FB2]  }
0x2b: {  	s6 =	sld [smem:$0x3FB3]  }
0x2c: {  	s7 =	sld [smem:$0x3FB4]  }
0x2d: {  	s3 =	simm.s32 $0x108;
	s8 =	sld [smem:$0x3FB5]  }
0x2e: {  	s3 =	simm.s32 @!p0 $0x1082;
	s9 =	sld [smem:$0x3FB6]  }
0x2f: {  	lr =	sadd.s32 s0, s3;
	s0 =	sld [smem:$0x3FAD]  }
0x30: {  	s3 =	sld [smem:$0x3FB0]  }
0x31: {  	[smem:$0x3FB9] =	sst s10  }
0x32: {  	s10 =	sld [smem:$0x3FB7];
	_ =	sdelay $0x3  }
0x33: {  	p0 =	seq.s32 s10, $0x1;
	s10 =	sld [smem:$0x3FB9];
	_ =	sdelay $0x3  }
0x34: {  	[smem:$0x3FB9] =	sst s10  }
0x35: {  	s10 =	sld [smem:$0x3FB8];
	_ =	sdelay $0x3  }
0x36: {  	p1 =	seq.s32 s10, $0x1;
	s10 =	sld [smem:$0x3FB9];
	_ =	sdelay $0x3  }
0x37: {  	[smem:$0x3FB9] =	sst s10  }
0x38: {  	s10 =	sld [smem:$0x3FBA]  }
0x39: {  	_ = 	snop;
	(pc) =	sbr.ind lr, $3  }
0x3a: {  	_ = 	snop  }
0x3b: {  	_ = 	snop  }
0x3c: {  	p2 =	seq.s32 s10, $0x1;
	s10 =	sld [smem:$0x3FB9]  }
0x3d: {  	_ =	shalt  }
0x3e: {  	_ =	shalt  }
0x3f: {  	_ =	shalt  }
0x40: {  	_ =	shalt  }
0x41: {  	_ =	shalt  }
0x42: {  	_ =	shalt  }
0x43: {  	_ =	shalt  }
0x44: {  	_ =	shalt  }
0x45: {  	_ =	shalt  }
0x46: {  	_ =	shalt  }
0x47: {  	_ =	shalt  }
0x48: {  	_ =	shalt  }
0x49: {  	_ =	shalt  }
0x4a: {  	_ =	shalt  }
0x4b: {  	_ =	shalt  }
0x4c: {  	_ =	shalt  }
0x4d: {  	_ =	shalt  }
0x4e: {  	_ =	shalt  }
0x4f: {  	_ =	shalt  }
0x50: {  	_ =	shalt  }
0x51: {  	_ =	shalt  }
0x52: {  	_ =	shalt  }
0x53: {  	_ =	shalt  }
0x54: {  	_ =	shalt  }
0x55: {  	_ =	shalt  }
0x56: {  	_ =	shalt  }
0x57: {  	_ =	shalt  }
0x58: {  	_ =	shalt  }
0x59: {  	_ =	shalt  }
0x5a: {  	_ =	shalt  }
0x5b: {  	_ =	shalt  }
0x5c: {  	_ =	shalt  }
0x5d: {  	_ =	shalt  }
0x5e: {  	_ =	shalt  }
0x5f: {  	_ =	shalt  }
0x60: {  	_ =	shalt  }
0x61: {  	_ =	shalt  }
0x62: {  	_ =	shalt  }
0x63: {  	_ =	shalt  }
0x64: {  	_ =	shalt  }
0x65: {  	_ =	shalt  }
0x66: {  	_ =	shalt  }
0x67: {  	_ =	shalt  }
0x68: {  	_ =	shalt  }
0x69: {  	_ =	shalt  }
0x6a: {  	_ =	shalt  }
0x6b: {  	_ =	shalt  }
0x6c: {  	_ =	shalt  }
0x6d: {  	_ =	shalt  }
0x6e: {  	_ =	shalt  }
0x6f: {  	_ =	shalt  }
0x70: {  	_ =	shalt  }
0x71: {  	_ =	shalt  }
0x72: {  	_ =	shalt  }
0x73: {  	_ =	shalt  }
0x74: {  	_ =	shalt  }
0x75: {  	_ =	shalt  }
0x76: {  	_ =	shalt  }
0x77: {  	_ =	shalt  }
0x78: {  	_ =	shalt  }
0x79: {  	_ =	shalt  }
0x7a: {  	_ =	shalt  }
0x7b: {  	_ =	shalt  }
0x7c: {  	_ =	shalt  }
0x7d: {  	_ =	shalt  }
0x7e: {  	_ =	shalt  }
0x7f: {  	_ =	shalt  }
0x80: {  	_ =	shalt  }
0x81: {  	_ =	shalt  }
0x82: {  	_ =	shalt  }
0x83: {  	_ =	shalt  }
0x84: {  	_ =	shalt  }
0x85: {  	_ =	shalt  }
0x86: {  	_ =	shalt  }
0x87: {  	_ =	shalt  }
.Lfunc_end0:
.L_simem_size_0:
called_computation.1_lowered:
.L_overlay_start_0:
0x88: {  	s2 =	sld [smem:$0x3FD9]  }
0x89: {  	s3 =	sld [smem:$0x3FFE];
	_ =	sdelay $0x1  }
0x8a: {  	s1 =	srdreg.scid  }
0x8b: {  	s0 =	sand.u32 $0x1, s1  }
0x8c: {  	s17 =	sshll.u32 s0, $0xA;
	s2 =	sadd.s32 s3, s2  }
0x8d: {  	s2 =	sadd.s32 s2, s17  }
0x8e: {  	[smem:$0x3FC5] =	sst s2  }
0x8f: {  	_ = 	snop  }
0x90: {  	s2 =	sld [smem:$0x3FD0];
	(tm) =	ssettm $0x1  }
0x91: {  	s18 =	sld [smem:$0x3FFB];
	_ =	sdelay $0x3  }
0x92: {  	_ =	strace s18  }
0x93: {  	s3 =	sld [smem:$0x3FFC];
	_ =	sdelay $0x3  }
0x94: {  	_ =	strace s3  }
0x95: {  	s3 =	sld [smem:$0x3FFD];
	_ =	sdelay $0x3  }
0x96: {  	_ =	strace s3  }
0x97: {  	_ =	strace $0x8FFFFFFF  }
0x98: {  	s19 =	sld [smem:$0x3FDB];
	_ =	sdelay $0x1  }
0x99: {  	s4 =	simm.s32 $_scs_section_size  }
0x9a: {  	s5 =	simm.s32 $_size__tile_overlayer_lowered;
	s6 =	simm.s32 $_tile_overlayer_lowered  }
0x9b: {  	s22 =	simm.s32 $0x1BFF;
	s21 =	sshll.u32 s6, $0x1;
	s3 =	sadd.s32 s4, s19  }
0x9c: {  	s7 =	simm.s32 $0x0;
	s20 =	sshll.u32 s5, $0x1;
	s5 =	sadd.s32 s21, s3  }
0x9d: {  	[timem:s7], [sflag:s22] =	dma.local [hbm:s5], s20  }
0x9e: {  	_ =	swait.ge [sflag:s22], s20  }
0x9f: {  	s4 =	ssub.s32 $0x0, s20;
	[sflag:s22] =	ssyncset.done $0x0  }
0xa0: {  	[sflag:s22] =	ssyncadd.s32 s4;
	_ =	sdelay $0x1  }
0xa1: {  	s23 =	simm.s32 $0x1B8B  }
0xa2: {  	_ =	swait.ge [sflag:s23], $0x1  }
0xa3: {  	[sflag:s23] =	ssyncset.done $0x0  }
0xa4: {  	s25 =	simm.s32 $0x1B8E;
	s24 =	sld [smem:$0x3FFE];
	[sflag:s23] =	ssyncadd.s32 $0xFFFFFFFF  }
0xa5: {  	s26 =	simm.s32 $execute0_lowered;
	[smem:$0x3FD2] =	sst s25  }
0xa6: {  	s5 =	sshll.u32 s26, $0x1;
	_ =	strace $0x80000046;
	[dreg:$0x1] =	wrdreg $0xFFFFFFFF  }
0xa7: {  	s28 =	simm.s32 $_size_execute0_lowered;
	s3 =	sadd.s32 s3, s5;
	[dreg:$0x0] =	wrdreg $0x0  }
0xa8: {  	s5 =	sshll.u32 s28, $0x1;
	[dreg:$0x2] =	wrdreg s3  }
0xa9: {  	[dreg:$0x3] =	wrdreg s5  }
0xaa: {  	[dreg:$0x4] =	wrdreg $0xC0  }
0xab: {  	_ =	task [dreg:s7], $0x5FFFF  }
0xac: {  	[dreg:$0x1] =	wrdreg $0xFFFFFFFF  }
0xad: {  	[dreg:$0x0] =	wrdreg $0x60  }
0xae: {  	[dreg:$0x2] =	wrdreg s24  }
0xaf: {  	[dreg:$0x3] =	wrdreg s2  }
0xb0: {  	[dreg:$0x4] =	wrdreg $0x9  }
0xb1: {  	_ =	task.clear_ibuf [dreg:s7], $0x5FFFF;
	_ =	strace $0x90000046  }
0xb2: {  	s29 =	simm.s32 $0x9;
	_ =	strace $0x80000048  }
0xb3: {  	_ =	swait.ge [sflag:s29], $0x1  }
0xb4: {  	[sflag:s29] =	ssyncadd.s32 $0xFFFFFFFF  }
0xb5: {  	_ =	strace $0x90000048  }
0xb6: {  	_ =	sfence  }
0xb7: {  	s30 =	sld [smem:$0x0];
	_ =	sdelay $0x2  }
0xb8: {  	s31 =	sshll.u32 s1, $0xD;
	s1 =	sshrl.u32 s1, $0x2  }
0xb9: {  	s3 =	sand.u32 $0x4000, s31;
	s1 =	sadd.s32 s1, s30  }
0xba: {  	s0 =	sor.u32 s3, s0;
	s1 =	sshll.u32 s1, $0x11  }
0xbb: {  	s0 =	sor.u32 s1, s0  }
0xbc: {  	s0 =	sadd.s32 $0x8F2B, s0  }
0xbd: {  	[sflag:s0] =	ssyncadd.remote.s32 $0x1  }
0xbe: {  	_ =	sfence.sel $0xFFFF  }
0xbf: {  	[dreg:$0x0] =	wrdreg $0xFFFFFFFF;
	(pc) =	sbr.abs _section_cstart, $3  }
0xc0: {  	[dreg:$0x1] =	wrdreg $0xFFFFFFFF  }
0xc1: {  	_ =	task.clear_ibuf [dreg:s7], $0x2FFFF;
	_ =	strace $0x9FFFFFFF  }
0xc2: {  	(tm) =	ssettm $0x7FFFFFFF  }
0xc3: {  	_ =	shalt  }
tec
execute0_lowered:
.L_overlay_start_1:
0x0: {  	(tag) =	ssettag $0x1  }
0x1: {  	s1 =	srdreg.scid;
	s4 =	rddreg [dreg:$0x0]  }
0x2: {  	s0 =	stileid.u32;
	s11 =	rddreg [dreg:$0x1];
	s15 =	simm.s32 $0xC800  }
0x3: {  	s16 =	simm.s32 $0xFA00;
	s17 =	simm.s32 $0x1;
	s18 =	simm.s32 $0x2  }
0x4: {  	s19 =	simm.s32 $0x0;
	s9 =	sand.u32 $0x1, s1;
	s29 =	sshll.u32 s0, $0x8  }
0x5: {  	s1 =	rddreg [dreg:$0x2];
	s13 =	smul.u32 $0x64000, s0;
	s2 =	sshll.u32 s9, $0x7  }
0x6: {  	s7 =	ssub.s32 $0x2, s9;
	s14 =	smul.u32 $0x32000, s9;
	s5 =	sor.u32 s2, s29  }
0x7: {  	s2 =	simm.s32 $0x0;
	s10 =	sshrl.u32 s7, $0x1;
	s3 =	smul.u32 $0x19, s5  }
0x8: {  	[smem:$0x7FF] =	sst s2;
	s8 =	smul.u32 $0x3200, s5;
	s10 =	ssub.s32 s7, s10  }
0x9: {  	s12 =	smul.u32 $0x640, s5;
	_ =	strace $0x80000047;
	s10 =	smax.u32 s10, $0x1  }
0xa: {  	s6 =	sadd.s32 s3, s4;
	s3 =	sadd.s32 $0x19C00, s4;
	s4 =	sadd.s32 $0x1A400, s4  }
0xb: {  	s30 =	sshrl.u32 s8, $0x3;
	s5 =	sadd.s32 $0xC00, s6;
	s6 =	sadd.s32 s11, s12  }
0xc: {  	s31 =	sadd.s32 s11, s30;
	s11 =	sadd.s32 s13, s11;
	s12 =	simm.s32 $0x15E00  }
0xd: {  	s13 =	simm.s32 $0x3;
	s7 =	sadd.s32 $0x640, s6;
	s8 =	sadd.s32 $0x31380, s31  }
0xe: {  	s9 =	sadd.s32 $0x319C0, s31;
	s11 =	sadd.s32 s14, s11;
	s14 =	simm.s32 $0x12C00  }
.LBB2_1:
0xf: {  	[tilespmem:s12], [sflag:$0x3] =	stream.linear.gather [hbm4b:s4+s2], $0x1, $0x38;
	[tilespmem:$0x15E10] =	vst v63  }
0x10: {  	_ =	swait.ge [sflag:s13], $0x1  }
0x11: {  	[sflag:s13] =	ssyncset.done $0x0  }
0x12: {  	[sflag:s13] =	ssyncadd.s32 $0xFFFFFFFF  }
0x13: {  	v0 =	vld.msk [tilespmem:$0x15E00 ss:$0x0], $0xffff;
	[tilespmem:s14], [sflag:$0x3] =	stream.linear.gather [hbm4b:s3+s2], $0x3200, $0x38  }
0x14: {  	_ =	swait.ge [sflag:s13], $0x3200  }
0x15: {  	[sflag:s13] =	ssyncset.done $0x0  }
0x16: {  	[sflag:s13] =	ssyncadd.s32 $0xFFFFCE00  }
0x17: {  	[tilespmem:s2], [sflag:$0x3] =	stream.linear.gather [hbm4b:s5+s2], $0x6400, $0x38;
	[tilespmem:$0x15E10] =	vst v63  }
0x18: {  	_ =	swait.ge [sflag:s13], $0x6400  }
0x19: {  	[sflag:s13] =	ssyncset.done $0x0  }
0x1a: {  	[sflag:s13] =	ssyncadd.s32 $0xFFFF9C00  }
0x1b: {  	v1 =	vld [tilespmem:$0x6400];
	_ =	sdelay $0x4  }
0x1c: {  	v1 =	vmul.f32 v1, v0;
	_ =	sdelay $0x1  }
0x1d: {  	[tilespmem:$0xC800] =	vst v1  }
0x1e: {  	[hbm4b:s6+s2] =	stream.linear.scatter [tilespmem:s15], [sflag:$0x1], $0x3200, $0x38;
	[tilespmem:$0x15E10] =	vst v63  }
0x1f: {  	v1 =	vld [tilespmem:$0x9600];
	_ =	sdelay $0x4  }
0x20: {  	v1 =	vmul.f32 v1, v0;
	_ =	sdelay $0x1  }
0x21: {  	[tilespmem:$0xFA00] =	vst v1  }
0x22: {  	[hbm4b:s7+s2] =	stream.linear.scatter [tilespmem:s16], [sflag:$0x2], $0x3200, $0x38;
	[tilespmem:$0x15E10] =	vst v63  }
0x23: {  	_ =	swait.ge [sflag:s17], $0x3200  }
0x24: {  	[sflag:s17] =	ssyncset.done $0x0  }
0x25: {  	[sflag:s17] =	ssyncadd.s32 $0xFFFFCE00  }
0x26: {  	v1 =	vld [tilespmem:$0x6400];
	_ =	sdelay $0x4  }
0x27: {  	v1 =	vmul.f32 v1, v0  }
0x28: {  	s21 =	sadd.s32 $0xFFFCF900, s11  }
0x29: {  	s20 =	sadd.s32 $0x31380, s21;
	[tilespmem:$0xC800] =	vst v1  }
0x2a: {  	[hbm4b:s20+s2] =	stream.linear.scatter [tilespmem:s15], [sflag:$0x1], $0x3200, $0x38;
	[tilespmem:$0x15E10] =	vst v63  }
0x2b: {  	_ =	swait.ge [sflag:s18], $0x3200  }
0x2c: {  	[sflag:s18] =	ssyncset.done $0x0  }
0x2d: {  	[sflag:s18] =	ssyncadd.s32 $0xFFFFCE00  }
0x2e: {  	v1 =	vld [tilespmem:$0x9600];
	_ =	sdelay $0x4  }
0x2f: {  	v1 =	vmul.f32 v1, v0;
	_ =	sdelay $0x1  }
0x30: {  	s21 =	sadd.s32 $0x319C0, s21;
	s20 =	simm.s32 $0xFFFD0580;
	[tilespmem:$0xFA00] =	vst v1  }
.LBB2_2:
0x31: {  	[hbm4b:s21+s2] =	stream.linear.scatter [tilespmem:s16], [sflag:$0x2], $0x3200, $0x38;
	[tilespmem:$0x15E10] =	vst v63  }
0x32: {  	s21 =	smov.u32 s20  }
0x33: {  	p0 =	sne.s32 s20, $0xFFFFF380;
	s20 =	sadd.s32 $0xC80, s20;
	_ =	swait.ge [sflag:s17], $0x3200  }
0x34: {  	[sflag:s17] =	ssyncset.done $0x0  }
0x35: {  	[sflag:s17] =	ssyncadd.s32 $0xFFFFCE00  }
0x36: {  	v1 =	vld [tilespmem:$0x6400];
	_ =	sdelay $0x4  }
0x37: {  	v1 =	vmul.f32 v1, v0  }
0x38: {  	s21 =	sadd.s32 s21, s11  }
0x39: {  	s22 =	sadd.s32 $0x31380, s21;
	[tilespmem:$0xC800] =	vst v1  }
0x3a: {  	[hbm4b:s22+s2] =	stream.linear.scatter [tilespmem:s15], [sflag:$0x1], $0x3200, $0x38;
	[tilespmem:$0x15E10] =	vst v63  }
0x3b: {  	_ =	swait.ge [sflag:s18], $0x3200  }
0x3c: {  	[sflag:s18] =	ssyncset.done $0x0  }
0x3d: {  	[sflag:s18] =	ssyncadd.s32 $0xFFFFCE00  }
0x3e: {  	v1 =	vld [tilespmem:$0x9600];
	_ =	sdelay $0x2  }
.Ltmp0:
0x3f: {  	(pc) =	sbr.rel @p0 .LBB2_2-.Ltmp0, $3  }
0x40: {  	_ = 	snop  }
0x41: {  	v1 =	vmul.f32 v1, v0;
	_ =	sdelay $0x1  }
0x42: {  	s21 =	sadd.s32 $0x319C0, s21;
	[tilespmem:$0xFA00] =	vst v1  }
0x43: {  	[hbm4b:s21+s2] =	stream.linear.scatter [tilespmem:s16], [sflag:$0x2], $0x3200, $0x38;
	[tilespmem:$0x15E10] =	vst v63  }
0x44: {  	_ =	swait.ge [sflag:s17], $0x3200  }
0x45: {  	[sflag:s17] =	ssyncset.done $0x0  }
0x46: {  	[sflag:s17] =	ssyncadd.s32 $0xFFFFCE00  }
0x47: {  	v1 =	vld [tilespmem:$0x6400];
	_ =	sdelay $0x4  }
0x48: {  	v1 =	vmul.f32 v1, v0;
	_ =	sdelay $0x1  }
0x49: {  	[tilespmem:$0xC800] =	vst v1  }
0x4a: {  	[hbm4b:s8+s2] =	stream.linear.scatter [tilespmem:s15], [sflag:$0x1], $0x3200, $0x38;
	[tilespmem:$0x15E10] =	vst v63  }
0x4b: {  	_ =	swait.ge [sflag:s18], $0x3200  }
0x4c: {  	[sflag:s18] =	ssyncset.done $0x0  }
0x4d: {  	[sflag:s18] =	ssyncadd.s32 $0xFFFFCE00  }
0x4e: {  	v62 =	vld [tilespmem:$0x9600];
	_ =	sdelay $0x4  }
0x4f: {  	v63 =	vmul.f32 v62, v0;
	_ =	sdelay $0x1  }
0x50: {  	s19 =	sadd.s32 $0x1, s19;
	[tilespmem:$0xFA00] =	vst v63  }
0x51: {  	[hbm4b:s9+s2] =	stream.linear.scatter [tilespmem:s16], [sflag:$0x2], $0x3200, $0x38;
	[tilespmem:$0x15E10] =	vst v63  }
0x52: {  	p0 =	sne.s32 s19, s10;
	_ =	swait.ge [sflag:s17], $0x3200  }
.Ltmp1:
0x53: {  	[sflag:s17] =	ssyncset.done $0x0;
	(pc) =	sbr.rel @p0 .LBB2_1-.Ltmp1, $4  }
0x54: {  	[sflag:s17] =	ssyncadd.s32 $0xFFFFCE00  }
0x55: {  	_ =	swait.ge [sflag:s18], $0x3200  }
0x56: {  	[sflag:s18] =	ssyncset.done $0x0  }
0x57: {  	[sflag:s18] =	ssyncadd.s32 $0xFFFFCE00  }
0x58: {  	_ =	sfence.sel $0x180000  }
0x59: {  	[bflag:$0x0] =	sbarrier.arrive $0xFFFF  }
0x5a: {  	p0 =	sne.s32 s0, $0x0;
	_ =	strace $0x90000047  }
0x5b: {  	s0 =	sadd.s32 @!p0 $0x100000, s1;
	[bflag:$0x2] =	sbarrier.arrive $0xFFFF  }
0x5c: {  	[sflag:s0] =	ssyncadd.tile.s32 @!p0 $0x1;
	_ =	shalt  }
.Lfunc_end2:
_tile_overlayer_lowered:
.L_overlay_start_2:
0x5d: {  	(tag) =	ssettag $0x2  }
0x5e: {  	s0 =	rddreg [dreg:$0x0];
	s2 =	stileid.u32  }
0x5f: {  	s1 =	rddreg [dreg:$0x1];
	p0 =	sne.s32 s2, $0x0  }
0x60: {  	s3 =	rddreg [dreg:$0x2];
	[bflag:$0x3] =	sbarrier.arrive $0xFFFF;
	s2 =	simm.s32 @!p0 $0x1C03  }
0x61: {  	[timem:s3], [sflag:s2] =	dma.local @!p0 [hbm:s0], s1  }
0x62: {  	s0 =	simm.s32 @!p0 $0x3  }
0x63: {  	_ =	swait.ge @!p0 [sflag:s0], s1  }
0x64: {  	s1 =	ssub.s32 @!p0 $0x0, s1;
	[sflag:s0] =	ssyncset.done @!p0 $0x0  }
0x65: {  	[sflag:s0] =	ssyncadd.s32 @!p0 s1  }
0x66: {  	[bflag:$0x3] =	sbarrier.arrive $0xFFFF  }
0x67: {  	_ =	shalt  }

// kernel: sparse-core-data-format-call.cloned.1.call-start
scs
called_computation_lowered:
.L_overlay_start_0:
0x0: {  	s2 =	sld [smem:$0x3FD9]  }
0x1: {  	s3 =	sld [smem:$0x3FFE];
	_ =	sdelay $0x1  }
0x2: {  	s1 =	srdreg.scid  }
0x3: {  	s0 =	sand.u32 $0x1, s1  }
0x4: {  	s18 =	sshll.u32 s0, $0xA;
	s2 =	sadd.s32 s3, s2  }
0x5: {  	s2 =	sadd.s32 s2, s18  }
0x6: {  	[smem:$0x3FC5] =	sst s2  }
0x7: {  	_ = 	snop  }
0x8: {  	s2 =	sld [smem:$0x3FD0];
	(tm) =	ssettm $0x1  }
0x9: {  	s19 =	sld [smem:$0x3FFB];
	_ =	sdelay $0x3  }
0xa: {  	_ =	strace s19  }
0xb: {  	s3 =	sld [smem:$0x3FFC];
	_ =	sdelay $0x3  }
0xc: {  	_ =	strace s3  }
0xd: {  	s3 =	sld [smem:$0x3FFD];
	_ =	sdelay $0x3  }
0xe: {  	_ =	strace s3  }
0xf: {  	_ =	strace $0x8FFFFFFF  }
0x10: {  	s20 =	sld [smem:$0x3FDB];
	_ =	sdelay $0x1  }
0x11: {  	s4 =	simm.s32 $_scs_section_size  }
0x12: {  	s5 =	simm.s32 $_size__tile_overlayer_lowered;
	s6 =	simm.s32 $_tile_overlayer_lowered  }
0x13: {  	s23 =	simm.s32 $0x1BFF;
	s22 =	sshll.u32 s6, $0x1;
	s3 =	sadd.s32 s4, s20  }
0x14: {  	s7 =	simm.s32 $0x0;
	s21 =	sshll.u32 s5, $0x1;
	s5 =	sadd.s32 s22, s3  }
0x15: {  	[timem:s7], [sflag:s23] =	dma.local [hbm:s5], s21  }
0x16: {  	_ =	swait.ge [sflag:s23], s21  }
0x17: {  	s4 =	ssub.s32 $0x0, s21;
	[sflag:s23] =	ssyncset.done $0x0  }
0x18: {  	[sflag:s23] =	ssyncadd.s32 s4;
	_ =	sdelay $0x1  }
0x19: {  	s24 =	simm.s32 $0x1B8B  }
0x1a: {  	_ =	swait.ge [sflag:s24], $0x1  }
0x1b: {  	[sflag:s24] =	ssyncset.done $0x0  }
0x1c: {  	s26 =	simm.s32 $0x1B8E;
	s25 =	sld [smem:$0x3FFE];
	[sflag:s24] =	ssyncadd.s32 $0xFFFFFFFF  }
0x1d: {  	s27 =	simm.s32 $execute0_lowered;
	[smem:$0x3FD2] =	sst s26  }
0x1e: {  	s5 =	sshll.u32 s27, $0x1;
	_ =	strace $0x80000049;
	[dreg:$0x1] =	wrdreg $0xFFFFFFFF  }
0x1f: {  	s28 =	simm.s32 $_size_execute0_lowered;
	s3 =	sadd.s32 s3, s5;
	[dreg:$0x0] =	wrdreg $0x0  }
0x20: {  	s5 =	sshll.u32 s28, $0x1;
	[dreg:$0x2] =	wrdreg s3  }
0x21: {  	[dreg:$0x3] =	wrdreg s5  }
0x22: {  	[dreg:$0x4] =	wrdreg $0xC0  }
0x23: {  	_ =	task [dreg:s7], $0x5FFFF  }
0x24: {  	[dreg:$0x1] =	wrdreg $0xFFFFFFFF  }
0x25: {  	[dreg:$0x0] =	wrdreg $0x60  }
0x26: {  	[dreg:$0x2] =	wrdreg s25  }
0x27: {  	[dreg:$0x3] =	wrdreg s2  }
0x28: {  	[dreg:$0x4] =	wrdreg $0x9  }
0x29: {  	_ =	task.clear_ibuf [dreg:s7], $0x5FFFF;
	_ =	strace $0x90000049  }
0x2a: {  	s29 =	simm.s32 $0x9;
	_ =	strace $0x8000004B  }
0x2b: {  	_ =	swait.ge [sflag:s29], $0x1  }
0x2c: {  	[sflag:s29] =	ssyncadd.s32 $0xFFFFFFFF  }
0x2d: {  	_ =	strace $0x9000004B  }
0x2e: {  	_ =	sfence  }
0x2f: {  	s30 =	sld [smem:$0x0];
	_ =	sdelay $0x2  }
0x30: {  	s31 =	sshll.u32 s1, $0xD;
	s1 =	sshrl.u32 s1, $0x2  }
0x31: {  	s3 =	sand.u32 $0x4000, s31;
	s1 =	sadd.s32 s1, s30  }
0x32: {  	s0 =	sor.u32 s3, s0;
	s1 =	sshll.u32 s1, $0x11  }
0x33: {  	s0 =	sor.u32 s1, s0  }
0x34: {  	s0 =	sadd.s32 $0x8F2B, s0  }
0x35: {  	[sflag:s0] =	ssyncadd.remote.s32 $0x1  }
0x36: {  	_ =	sfence.sel $0xFFFF  }
0x37: {  	[dreg:$0x0] =	wrdreg $0xFFFFFFFF;
	(pc) =	sbr.abs _section_cstart, $3  }
0x38: {  	[dreg:$0x1] =	wrdreg $0xFFFFFFFF  }
0x39: {  	_ =	task.clear_ibuf [dreg:s7], $0x2FFFF;
	_ =	strace $0x9FFFFFFF  }
0x3a: {  	(tm) =	ssettm $0x7FFFFFFF  }
0x3b: {  	_ =	shalt  }
tec
execute0_lowered:
.L_overlay_start_1:
0x0: {  	(tag) =	ssettag $0x1  }
0x1: {  	s0 =	srdreg.scid  }
0x2: {  	s1 =	sshll.u32 s0, $0x4  }
0x3: {  	s0 =	stileid.u32;
	s1 =	sand.u32 $0x10, s1  }
0x4: {  	s1 =	sor.u32 s0, s1  }
0x5: {  	s6 =	rddreg [dreg:$0x0];
	s4 =	simm.s32 $0x1;
	s2 =	sshll.u32 s1, $0x7  }
0x6: {  	s7 =	simm.s32 $0x2;
	s12 =	simm.s32 $0x0;
	s1 =	ssub.s32 $0x1000, s2  }
0x7: {  	s8 =	simm.s32 $0x8000;
	s13 =	simm.s32 $0x0;
	s3 =	sand.u32 $0xF80, s1  }
0x8: {  	s9 =	simm.s32 $0x0;
	s5 =	sshrl.u32 s1, $0xC;
	p0 =	sne.s32 s3, $0x0  }
.Ltmp0:
0x9: {  	s1 =	rddreg [dreg:$0x2];
	s4 =	simm.s32 @!p0 $0x0;
	(pc) =	sbr.rel .LBB1_1-.Ltmp0, $4  }
0xa: {  	s11 =	simm.s32 $0x0;
	s3 =	rddreg [dreg:$0x1];
	s5 =	sadd.s32 s4, s5  }
0xb: {  	_ =	strace $0x8000004A;
	s4 =	simm.s32 $0x1;
	s5 =	smul.u32 $0xC8, s5  }
0xc: {  	s6 =	sadd.s32 $0xC00, s6;
	s10 =	smov.u32 s2;
	[sflag:s4] =	ssyncpa.u1 $0x0  }
0xd: {  	p0 =	por $0x0, $0x0;
	[sflag:s7] =	ssyncpa.u1 $0x0;
	s7 =	sor.u32 $0x1, s5  }
.LBB1_4:
0xe: {  	s16 =	sshll.u32 s13, $0x3;
	s17 =	sand.u32 $0x78, s13  }
0xf: {  	s30 =	sand.u32 $0x7E00, s13;
	s12 =	sshll.u32 s12, $0xF;
	s16 =	sand.u32 $0xC00, s16  }
0x10: {  	[tilespmem:s15+$0x810 ss:$0x81] =	vst.msk $0xffff, v2;
	s31 =	sand.u32 $0x7, s13;
	s16 =	sor.u32 s17, s16;
	s17 =	sadd.s32 s3, s30  }
0x11: {  	[tilespmem:s15+$0x1020 ss:$0x81] =	vst.msk $0xffff, v0;
	s13 =	sshll.u32 s31, $0x12;
	s12 =	sadd.s32 s12, s17;
	s16 =	sshrl.u32 s16, $0x3  }
0x12: {  	[tilespmem:s15+$0x0 ss:$0x81] =	vst.msk $0xffff, v1;
	s13 =	sor.u32 $0x400, s13;
	s12 =	sadd.s32 s16, s12  }
0x13: {  	[hbm4b:s12+s13] =	stream.strided.scatter [tilespmem:s14], [sflag:$0x2], $0x2000, s8, s13, $0x20;
	[tilespmem:$0x8080] =	vst v63  }
.LBB1_5:
0x14: {  	s14 =	sadd.s32 $0x1, s9  }
0x15: {  	s12 =	sadd.s32 $0x1000, s10;
	s16 =	smov.u32 s10;
	p2 =	sgt.s32 s14, $0xC7  }
0x16: {  	s16 =	smov.u32 @p2 s12  }
0x17: {  	s14 =	simm.s32 @p2 $0x0;
	p2 =	sgt.s32 s16, $0xFFF  }
0x18: {  	s16 =	smov.u32 @p2 s2;
	p2 =	sne.s32 s11, s7  }
.Ltmp1:
0x19: {  	p1 =	slt.u32 s11, $0x2;
	(pc) =	sbr.rel @!p2 .LBB1_6-.Ltmp1, $4  }
0x1a: {  	s15 =	simm.s32 @!p1 $0x2  }
0x1b: {  	s13 =	smov.u32 s10;
	p0 =	por !p0, !p0;
	_ =	swait.ge @!p1 [sflag:s15], $0x2000  }
0x1c: {  	s12 =	smov.u32 s9;
	[sflag:s15] =	ssyncset.done @!p1 $0x0;
	s9 =	smov.u32 s14  }
0x1d: {  	s11 =	sadd.s32 $0x1, s11;
	[sflag:s15] =	ssyncadd.s32 @!p1 $0xFFFFE000;
	s10 =	smov.u32 s16  }
.LBB1_1:
0x1e: {  	p1 =	sge.u32 s11, s5  }
0x1f: {  	s14 =	sand.u32 @!p1 $0x1FFFFFF, s9  }
0x20: {  	s15 =	smulhi.u32 @!p1 $0x147AE15, s14;
	_ =	sdelay $0x1  }
0x21: {  	s15 =	smul.u32 @!p1 $0xC8, s15  }
0x22: {  	s16 =	sxor.u32 @!p1 $0xFFFFFFFF, s11;
	s17 =	smul.u32 @!p1 $0xC80, s10  }
0x23: {  	s31 =	sadd.s32 $0xFFFFFFFF, s11;
	s16 =	sshll.u32 @!p1 s16, $0xD;
	s14 =	ssub.s32 @!p1 s14, s15  }
0x24: {  	s15 =	sand.u32 @!p1 $0x2000, s16;
	s16 =	sadd.s32 @!p1 s6, s17;
	s14 =	sshll.u32 @!p1 s14, $0x4  }
0x25: {  	s17 =	simm.s32 @!p1 $0x6400;
	s14 =	sadd.s32 @!p1 s14, s16;
	s16 =	simm.s32 @!p1 $0x40  }
0x26: {  	[tilespmem:s15], [sflag:$0x1] =	stream.strided.gather @!p1 [hbm4b:s14+s16], $0x2000, s17, s16, $0x38;
	[tilespmem:$0x8080] =	vst v63  }
0x27: {  	p1 =	sge.u32 s31, s5  }
.Ltmp2:
0x28: {  	_ = 	snop;
	(pc) =	sbr.rel @p1 .LBB1_5-.Ltmp2, $1  }
0x29: {  	_ =	sdelay $0x3  }
0x2a: {  	s14 =	simm.s32 $0x1  }
0x2b: {  	_ =	swait.ge [sflag:s4], $0x2000;
	s14 =	simm.s32 @!p0 $0x0  }
0x2c: {  	[sflag:s4] =	ssyncset.done $0x0;
	s15 =	sshll.u32 s14, $0xD  }
0x2d: {  	[sflag:s4] =	ssyncadd.s32 $0xFFFFE000;
	s18 =	sor.u32 $0x20, s15  }
0x2e: {  	s14 =	smul.u32 $0x8100, s14;
	v3 =	vld [tilespmem:s18+$0x10]  }
0x2f: {  	s30 =	sand.u32 $0x1, s11;
	v2 =	vld [tilespmem:s18+$0xFFFFFFF0]  }
0x30: {  	s15 =	smul.u32 $0x8100, s30;
	s14 =	sshrl.u32 s14, $0x2;
	v0 =	vld [tilespmem:s18+$0x0]  }
0x31: {  	v1 =	vld [tilespmem:s18+$0xFFFFFFE0];
	s16 =	sor.u32 $0x4000, s14  }
0x32: {  	s31 =	sshrl.u32 s15, $0x2;
	s15 =	sadd.s32 $0x0, s16  }
0x33: {  	s17 =	simm.s32 $0x4;
	s18 =	sadd.s32 $0x40, s18;
	s14 =	sor.u32 $0x4000, s31;
	[tilespmem:s15+$0x1830 ss:$0x81] =	vst.msk $0xffff, v3  }
.LBB1_3:
0x34: {  	v3 =	vld [tilespmem:s18+$0x10];
	p1 =	sne.s32 s17, $0x1FC;
	[tilespmem:s15+$0x810 ss:$0x81] =	vst.msk $0xffff, v2;
	s19 =	smov.u32 s17;
	s17 =	sadd.s32 $0x4, s17  }
.Ltmp3:
0x35: {  	v2 =	vld [tilespmem:s18+$0xFFFFFFF0];
	[tilespmem:s15+$0x1020 ss:$0x81] =	vst.msk $0xffff, v0;
	(pc) =	sbr.rel @p1 .LBB1_3-.Ltmp3, $4  }
0x36: {  	v0 =	vld [tilespmem:s18+$0x0];
	[tilespmem:s15+$0x0 ss:$0x81] =	vst.msk $0xffff, v1  }
0x37: {  	s15 =	sshra.s32 s19, $0x2;
	v1 =	vld [tilespmem:s18+$0xFFFFFFE0]  }
0x38: {  	s15 =	sadd.s32 s15, s16  }
0x39: {  	s18 =	sadd.s32 $0x40, s18;
	[tilespmem:s15+$0x1830 ss:$0x81] =	vst.msk $0xffff, v3  }
.Ltmp4:
0x3a: {  	_ = 	snop;
	(pc) =	sbr.rel .LBB1_4-.Ltmp4, $1  }
0x3b: {  	_ =	sdelay $0x3  }
.LBB1_6:
0x3c: {  	_ =	sfence.sel $0x180000  }
0x3d: {  	s2 =	simm.s32 $0x1;
	[bflag:$0x0] =	sbarrier.arrive $0xFFFF  }
0x3e: {  	s31 =	simm.s32 $0x2;
	[sflag:s2] =	ssyncpa.u1 $0x1  }
0x3f: {  	[sflag:s31] =	ssyncpa.u1 $0x1  }
0x40: {  	p0 =	sne.s32 s0, $0x0;
	_ =	strace $0x9000004A  }
0x41: {  	s0 =	sadd.s32 @!p0 $0x100000, s1;
	[bflag:$0x2] =	sbarrier.arrive $0xFFFF  }
0x42: {  	[sflag:s0] =	ssyncadd.tile.s32 @!p0 $0x1;
	_ =	shalt  }
.Lfunc_end1:
_tile_overlayer_lowered:
.L_overlay_start_2:
0x43: {  	(tag) =	ssettag $0x2  }
0x44: {  	s0 =	rddreg [dreg:$0x0];
	s2 =	stileid.u32  }
0x45: {  	s1 =	rddreg [dreg:$0x1];
	p0 =	sne.s32 s2, $0x0  }
0x46: {  	s3 =	rddreg [dreg:$0x2];
	[bflag:$0x3] =	sbarrier.arrive $0xFFFF;
	s2 =	simm.s32 @!p0 $0x1C01  }
0x47: {  	[timem:s3], [sflag:s2] =	dma.local @!p0 [hbm:s0], s1  }
0x48: {  	s0 =	simm.s32 @!p0 $0x1  }
0x49: {  	_ =	swait.ge @!p0 [sflag:s0], s1  }
0x4a: {  	s1 =	ssub.s32 @!p0 $0x0, s1;
	[sflag:s0] =	ssyncset.done @!p0 $0x0  }
0x4b: {  	[sflag:s0] =	ssyncadd.s32 @!p0 s1  }
0x4c: {  	[bflag:$0x3] =	sbarrier.arrive $0xFFFF  }
0x4d: {  	_ =	shalt  }

</sc_bundles>
